<compile_context>
chip_gen: v7x
topology: tpu7x:2x2x1
jax: 0.10.2.dev20260603
libtpu: 0.0.44.dev20260713+nightly
codegen_flags: <defaults>
</compile_context>

<pallas_src>
import functools

import jax
import jax.numpy as jnp
from jax import lax
from jax.experimental import pallas as pl
from jax.experimental.pallas import tpu as pltpu
from jax.experimental.pallas import tpu_sc as plsc

_KE_KCAL = 332.06371
_R_CUT = 5.0
_R_ON = _R_CUT / 4.0
_R_OFF = 3.0 * _R_CUT / 4.0
_N = 2048
_TILE = 256
_NW = 32
_CHUNK = _N // _NW


def _qz_kernel(zt_hbm, z_hbm, out_hbm, idx_v, rows_v, sem):
    wid = lax.axis_index("s") * 2 + lax.axis_index("c")
    base = wid * _CHUNK
    pltpu.sync_copy(z_hbm.at[pl.ds(base, _CHUNK)], idx_v)
    pltpu.async_copy(zt_hbm.at[idx_v], rows_v, sem).wait()
    pltpu.sync_copy(rows_v, out_hbm.at[pl.ds(base, _CHUNK)])


def _energy_kernel(qz_ref, f_ref, w_ref, tc_ref, xyz_ref, xyzt_ref,
                   energy_ref, q_ref):
    p = pl.program_id(0)

    @pl.when(p == 0)
    def _():
        w_f = jnp.dot(f_ref[...], w_ref[...], preferred_element_type=jnp.float32)
        pred = w_f + qz_ref[...]
        corr = (tc_ref[...] - jnp.sum(pred)) * (1.0 / _N)
        q_ref[...] = pred + corr
        energy_ref[...] = jnp.zeros((1, 1), jnp.float32)

    nb = _N // _TILE
    i_a = p
    i_b = nb - 1 - p
    n_a = nb - i_a
    iota0 = lax.broadcasted_iota(jnp.int32, (_TILE, _TILE), 0)
    iota1 = lax.broadcasted_iota(jnp.int32, (_TILE, _TILE), 1)
    inv_w = 1.0 / (_R_OFF - _R_ON)

    def block(t, e):
        is_a = t < n_a
        i0 = jnp.where(is_a, i_a, i_b) * _TILE
        j0 = jnp.where(is_a, i_a + t, t - 1) * _TILE
        tile = xyz_ref[pl.ds(i0, _TILE), :]
        rows = xyzt_ref[:, pl.ds(j0, _TILE)]
        dx = tile[:, 0:1] - rows[0:1, :]
        dy = tile[:, 1:2] - rows[1:2, :]
        dz = tile[:, 2:3] - rows[2:3, :]
        d2 = dx * dx + dy * dy + dz * dz
        mask = ((j0 - i0 + iota1 - iota0) > 0) & (d2 > 0)

        sd2 = jnp.where(mask, d2, 1.0)
        rinv = lax.rsqrt(sd2)
        r = sd2 * rinv
        a = jnp.clip((r - _R_ON) * inv_w, 1e-4, 1.0 - 1e-4)
        expo = (2.0 * a - 1.0) / (a - a * a)
        fs = 1.0 / (1.0 + jnp.exp(expo))
        isq = lax.rsqrt(sd2 + 1.0)
        g = fs * (isq - rinv) + rinv
        g = jnp.where(mask, g, 0.0)
        qj = q_ref[pl.ds(j0, _TILE), :]
        ev = jnp.dot(g, qj, preferred_element_type=jnp.float32)
        qi = q_ref[pl.ds(i0, _TILE), :]
        return e + jnp.sum(qi * ev, keepdims=True)

    e = lax.fori_loop(0, nb + 1, block, jnp.zeros((1, 1), jnp.float32),
                      unroll=3)
    energy_ref[...] += _KE_KCAL * e


@jax.jit
def kernel(f, z, xyz, total_charge, W, z_table):
    zt_pad = jnp.zeros((128, 128), jnp.float32).at[: z_table.shape[0], 0:1].set(
        z_table)
    qz_full = pl.kernel(
        _qz_kernel,
        out_type=jax.ShapeDtypeStruct((_N, 128), jnp.float32),
        mesh=plsc.VectorSubcoreMesh(core_axis_name="c", subcore_axis_name="s"),
        scratch_types=[
            pltpu.VMEM((_CHUNK,), jnp.int32),
            pltpu.VMEM((_CHUNK, 128), jnp.float32),
            pltpu.SemaphoreType.DMA,
        ],
    )(zt_pad, z.astype(jnp.int32))
    qz = qz_full[:, 0:1]

    tc = total_charge.reshape(1, 1)
    xyzt = xyz.T
    energy, q = pl.pallas_call(
        _energy_kernel,
        grid=(_N // _TILE // 2,),
        out_shape=(
            jax.ShapeDtypeStruct((1, 1), jnp.float32),
            jax.ShapeDtypeStruct((_N, 1), jnp.float32),
        ),
    )(qz, f, W, tc, xyz, xyzt)

    return (energy[0, 0], q)

# --- scband reference (transcript-rebuilt; emitter-appended) ---
"""Pipeline reference for scband-electrostatics-56684978372796 (READ-ONLY COPY).

The authoritative reference and input builder live on the scoring server;
editing this copy changes nothing except your own understanding.
"""

import jax, jax.numpy as jnp
import numpy as np

KE_KCAL = 332.06371
R_CUT = 5.0
R_ON = R_CUT / 4.0
R_OFF = 3.0 * R_CUT / 4.0
N_ATOMS = 2048
FEAT_DIM = 128
MAX_Z = 86


def sigma(x):
    safe = jnp.where(x > 0, x, 1.0)
    return jnp.where(x > 0, jnp.exp(-1.0 / safe), 0.0)


def f_switch(r):
    arg = (r - R_ON) / (R_OFF - R_ON)
    num = sigma(1.0 - arg)
    denom = num + sigma(arg)
    return num / denom


def setup_inputs(seed: int = 0) -> dict:
    key = jax.random.key(seed)
    k1, k2, k3, k4, k5 = jax.random.split(key, 5)
    f = jax.random.normal(k1, (N_ATOMS, FEAT_DIM), dtype=jnp.float32)
    z = jax.random.randint(k2, (N_ATOMS,), 0, MAX_Z)
    xyz = jax.random.normal(k3, (N_ATOMS, 3), dtype=jnp.float32) * 3.0
    total_charge = jnp.zeros((1,), dtype=jnp.float32)
    # learned params: Dense(feat_dim -> 1, bias=False) and nn.Embedding(max_z, 1, padding_idx=0)
    W = jax.random.normal(k4, (FEAT_DIM, 1), dtype=jnp.float32) * 0.05
    z_table = jax.random.normal(k5, (MAX_Z, 1), dtype=jnp.float32) * 0.05
    z_table = z_table.at[0].set(0.0)  # padding_idx=0
    return {"f": f, "z": z, "xyz": xyz, "total_charge": total_charge, "W": W, "z_table": z_table}


def reference(f, z, xyz, total_charge, W, z_table):
    # get_charge
    w_f = f @ W                      # [N, 1]
    q_z = jnp.take(z_table, z, axis=0)  # embedding gather [N, 1]
    pred_charge = w_f + q_z
    num_atoms = f.shape[0]
    correction = (1.0 / num_atoms) * (jnp.sum(total_charge) - pred_charge.sum())
    q = pred_charge + correction     # [N, 1]
    qv = q[:, 0]

    # get_en: full NxN pairwise distances, keep pairs with j > i and r > 0
    diff = xyz[:, None, :] - xyz[None, :, :]          # [N, N, 3]
    d2 = jnp.sum(diff * diff, axis=2)                 # [N, N]
    pos = d2 > 0
    r = jnp.where(pos, jnp.sqrt(jnp.where(pos, d2, 1.0)), 0.0)
    n = xyz.shape[0]
    iu = jnp.triu(jnp.ones((n, n), dtype=bool), k=1)  # j > i
    mask = iu & pos
    safe_r = jnp.where(mask, r, 1.0)
    fs = f_switch(safe_r)
    arg_0 = fs / jnp.sqrt(safe_r * safe_r + 1.0)
    arg_1 = (1.0 - fs) / safe_r
    pair = qv[:, None] * qv[None, :] * (arg_0 + arg_1)
    energy = jnp.sum(KE_KCAL * jnp.where(mask, pair, 0.0))
    return (energy, q)

if __name__ == "__main__":
    import jax
    _d = setup_inputs()
    print(jax.jit(kernel)(*tuple(_d.values())))

</pallas_src>

<mosaic_0001>
#map = affine_map<(d0, d1) -> (0, 0)>
#map1 = affine_map<(d0, d1) -> (0)>
module attributes {stable_mosaic.version = 14 : i64} {
  func.func @_qz_kernel(%arg0: i32, %arg1: i32, %arg2: memref<128x128xf32, #tpu.memory_space<hbm>>, %arg3: memref<2048xi32, #tpu.memory_space<hbm>>, %arg4: memref<2048x128xf32, #tpu.memory_space<hbm>>, %arg5: memref<64xi32, #tpu.memory_space<vmem>>, %arg6: memref<64x128xf32, #tpu.memory_space<vmem>>, %arg7: memref<!tpu.dma_semaphore, #tpu.memory_space<semaphore_mem>>) attributes {dimension_semantics = [#tpu.dimension_semantics<core_parallel>, #tpu.dimension_semantics<subcore_parallel>], iteration_bounds = array<i64: 2, 16>, scalar_prefetch = 0 : i64, scratch_operands = 3 : i64, tpu.core_type = #tpu.core_type<sc_vector_subcore>, window_params = [{transform_indices = #map}, {transform_indices = #map1}, {transform_indices = #map}]} {
    %mul3A = arith.constant 2 : i32
    %mul3A_0 = arith.muli %arg1, %mul3A : i32
    %add3A = arith.addi %mul3A_0, %arg0 : i32
    %mul3A_1 = arith.constant 64 : i32
    %mul3A_2 = arith.muli %add3A, %mul3A_1 : i32
    "tpu.region"() ({
      %run_scoped3A = tpu.sem_alloc : memref<!tpu.dma_semaphore, #tpu.memory_space<semaphore_mem>>
      %dma_start3A_7 = tpu.memref_slice %arg3[%mul3A_2] : memref<2048xi32, #tpu.memory_space<hbm>> -> memref<64xi32, #tpu.memory_space<hbm>>
      %dma_start3A_8 = tpu.memref_slice %arg3[%mul3A_2] : memref<2048xi32, #tpu.memory_space<hbm>> -> memref<64xi32, #tpu.memory_space<hbm>>
      tpu.enqueue_dma source(%dma_start3A_8 : memref<64xi32, #tpu.memory_space<hbm>>) target(%arg5 : memref<64xi32, #tpu.memory_space<vmem>>) target_semaphore(%run_scoped3A : memref<!tpu.dma_semaphore, #tpu.memory_space<semaphore_mem>>)
      %dma_wait3A_9 = tpu.memref_slice %arg3[%mul3A_2] : memref<2048xi32, #tpu.memory_space<hbm>> -> memref<64xi32, #tpu.memory_space<hbm>>
      %dma_wait3A_10 = tpu.memref_slice %arg3[%mul3A_2] : memref<2048xi32, #tpu.memory_space<hbm>> -> memref<64xi32, #tpu.memory_space<hbm>>
      tpu.wait_dma2 semaphore(%run_scoped3A : memref<!tpu.dma_semaphore, #tpu.memory_space<semaphore_mem>>) src(%dma_wait3A_10 : memref<64xi32, #tpu.memory_space<hbm>>) dst(%arg5 : memref<64xi32, #tpu.memory_space<vmem>>)
      tpu.yield
    }) : () -> ()
    %dma_start3A = arith.constant 0 : i32
    %dma_start3A_3 = arith.constant 0 : i32
    %dma_start3A_4 = tpu.memref_slice %arg2[%dma_start3A, %dma_start3A_3] : memref<128x128xf32, #tpu.memory_space<hbm>> -> memref<128x128xf32, #tpu.memory_space<hbm>>
    tpu.enqueue_indirect_dma source(%dma_start3A_4 : memref<128x128xf32, #tpu.memory_space<hbm>>) target(%arg6 : memref<64x128xf32, #tpu.memory_space<vmem>>) offsets(%arg5 : memref<64xi32, #tpu.memory_space<vmem>>) semaphore(%arg7 : memref<!tpu.dma_semaphore, #tpu.memory_space<semaphore_mem>>)
    %dma_wait3A = arith.constant 0 : i32
    %dma_wait3A_5 = arith.constant 0 : i32
    %dma_wait3A_6 = tpu.memref_slice %arg2[%dma_wait3A, %dma_wait3A_5] : memref<128x128xf32, #tpu.memory_space<hbm>> -> memref<128x128xf32, #tpu.memory_space<hbm>>
    tpu.wait_indirect_dma semaphore(%arg7 : memref<!tpu.dma_semaphore, #tpu.memory_space<semaphore_mem>>) src(%dma_wait3A_6 : memref<128x128xf32, #tpu.memory_space<hbm>>) dst(%arg6 : memref<64x128xf32, #tpu.memory_space<vmem>>)
    "tpu.region"() ({
      %run_scoped3A = tpu.sem_alloc : memref<!tpu.dma_semaphore, #tpu.memory_space<semaphore_mem>>
      %dma_start3A_7 = arith.constant 0 : i32
      %dma_start3A_8 = tpu.memref_slice %arg4[%mul3A_2, %dma_start3A_7] : memref<2048x128xf32, #tpu.memory_space<hbm>> -> memref<64x128xf32, #tpu.memory_space<hbm>>
      %dma_start3A_9 = arith.constant 0 : i32
      %dma_start3A_10 = tpu.memref_slice %arg4[%mul3A_2, %dma_start3A_9] : memref<2048x128xf32, #tpu.memory_space<hbm>> -> memref<64x128xf32, #tpu.memory_space<hbm>>
      tpu.enqueue_dma source(%arg6 : memref<64x128xf32, #tpu.memory_space<vmem>>) target(%dma_start3A_10 : memref<64x128xf32, #tpu.memory_space<hbm>>) target_semaphore(%run_scoped3A : memref<!tpu.dma_semaphore, #tpu.memory_space<semaphore_mem>>)
      %dma_wait3A_11 = arith.constant 0 : i32
      %dma_wait3A_12 = tpu.memref_slice %arg4[%mul3A_2, %dma_wait3A_11] : memref<2048x128xf32, #tpu.memory_space<hbm>> -> memref<64x128xf32, #tpu.memory_space<hbm>>
      %dma_wait3A_13 = arith.constant 0 : i32
      %dma_wait3A_14 = tpu.memref_slice %arg4[%mul3A_2, %dma_wait3A_13] : memref<2048x128xf32, #tpu.memory_space<hbm>> -> memref<64x128xf32, #tpu.memory_space<hbm>>
      tpu.wait_dma2 semaphore(%run_scoped3A : memref<!tpu.dma_semaphore, #tpu.memory_space<semaphore_mem>>) src(%arg6 : memref<64x128xf32, #tpu.memory_space<vmem>>) dst(%dma_wait3A_14 : memref<64x128xf32, #tpu.memory_space<hbm>>)
      tpu.yield
    }) : () -> ()
    return
  }
}

module attributes {stable_mosaic.version = 14 : i64} {
  func.func @_energy_kernel(%arg0: i32, %arg1: memref<2048x1xf32, #tpu.memory_space<vmem>>, %arg2: memref<2048x128xf32, #tpu.memory_space<vmem>>, %arg3: memref<128x1xf32, #tpu.memory_space<vmem>>, %arg4: memref<1x1xf32, #tpu.memory_space<vmem>>, %arg5: memref<2048x3xf32, #tpu.memory_space<vmem>>, %arg6: memref<3x2048xf32, #tpu.memory_space<vmem>>, %arg7: memref<1x1xf32, #tpu.memory_space<vmem>>, %arg8: memref<2048x1xf32, #tpu.memory_space<vmem>>) attributes {dimension_semantics = [#tpu.dimension_semantics<arbitrary>], iteration_bounds = array<i64: 4>, scalar_prefetch = 0 : i64, scratch_operands = 0 : i64, tpu.core_type = #tpu.core_type<tc>, window_params = [{pipeline_mode = #tpu.pipeline_mode<synchronous>, transform_indices = @transform_0, window_bounds = array<i64: 2048, 1>}, {pipeline_mode = #tpu.pipeline_mode<synchronous>, transform_indices = @transform_1, window_bounds = array<i64: 2048, 128>}, {pipeline_mode = #tpu.pipeline_mode<synchronous>, transform_indices = @transform_2, window_bounds = array<i64: 128, 1>}, {pipeline_mode = #tpu.pipeline_mode<synchronous>, transform_indices = @transform_3, window_bounds = array<i64: 1, 1>}, {pipeline_mode = #tpu.pipeline_mode<synchronous>, transform_indices = @transform_4, window_bounds = array<i64: 2048, 3>}, {pipeline_mode = #tpu.pipeline_mode<synchronous>, transform_indices = @transform_5, window_bounds = array<i64: 3, 2048>}, {pipeline_mode = #tpu.pipeline_mode<synchronous>, transform_indices = @transform_6, window_bounds = array<i64: 1, 1>}, {pipeline_mode = #tpu.pipeline_mode<synchronous>, transform_indices = @transform_7, window_bounds = array<i64: 2048, 1>}]} {
    %eq3A = arith.constant 0 : i32
    %eq3A_0 = arith.cmpi eq, %arg0, %eq3A : i32
    %convert_element_type3A = arith.extui %eq3A_0 : i1 to i32
    %cond3A = arith.constant 0 : i32
    %cond3A_1 = arith.cmpi ne, %convert_element_type3A, %cond3A : i32
    scf.if %cond3A_1 {
      %get3A_18 = arith.constant 0 : index
      %get3A_19 = arith.constant 0 : index
      %get3A_20 = vector.load %arg2[%get3A_18, %get3A_19] : memref<2048x128xf32, #tpu.memory_space<vmem>>, vector<2048x128xf32>
      %get3A_21 = arith.constant 0 : index
      %get3A_22 = arith.constant 0 : index
      %get3A_23 = vector.load %arg3[%get3A_21, %get3A_22] : memref<128x1xf32, #tpu.memory_space<vmem>>, vector<128x1xf32>
      %dot_general3A = arith.constant dense<0.000000e+00> : vector<2048x1xf32>
      %dot_general3A_24 = tpu.matmul %get3A_20, %get3A_23, %dot_general3A {dimension_numbers = #tpu.dot_dimension_numbers<[1], [0], [0], [1], [0, 0, 1, 1], [], []>, transpose_lhs_hint = false} : vector<2048x128xf32>, vector<128x1xf32>, vector<2048x1xf32> -> vector<2048x1xf32>
      %get3A_25 = arith.constant 0 : index
      %get3A_26 = arith.constant 0 : index
      %get3A_27 = vector.load %arg1[%get3A_25, %get3A_26] : memref<2048x1xf32, #tpu.memory_space<vmem>>, vector<2048x1xf32>
      %add3A_28 = arith.addf %dot_general3A_24, %get3A_27 : vector<2048x1xf32>
      %get3A_29 = arith.constant 0 : index
      %get3A_30 = arith.constant 0 : index
      %get3A_31 = vector.load %arg4[%get3A_29, %get3A_30] : memref<1x1xf32, #tpu.memory_space<vmem>>, vector<1x1xf32>
      %reduce_sum3A = vector.shape_cast %add3A_28 : vector<2048x1xf32> to vector<1x2048x1xf32>
      %reduce_sum3A_32 = arith.constant dense<0.000000e+00> : vector<1xf32>
      %reduce_sum3A_33 = vector.multi_reduction <add>, %reduce_sum3A, %reduce_sum3A_32 [1, 2] : vector<1x2048x1xf32> to vector<1xf32>
      %reduce_sum3A_34 = vector.shape_cast %reduce_sum3A_33 : vector<1xf32> to vector<1x1x1xf32>
      %reduce_sum3A_35 = vector.extract %reduce_sum3A_34[0, 0, 0] : f32 from vector<1x1x1xf32>
      %sub3A_36 = vector.broadcast %reduce_sum3A_35 : f32 to vector<1x1xf32>
      %sub3A_37 = arith.subf %get3A_31, %sub3A_36 : vector<1x1xf32>
      %mul3A_38 = arith.constant 4.8828125E-4 : f32
      %mul3A_39 = vector.broadcast %mul3A_38 : f32 to vector<1x1xf32>
      %mul3A_40 = arith.mulf %sub3A_37, %mul3A_39 : vector<1x1xf32>
      %add3A_41 = vector.broadcast %mul3A_40 : vector<1x1xf32> to vector<2048x1xf32>
      %add3A_42 = arith.addf %add3A_28, %add3A_41 : vector<2048x1xf32>
      %swap3A_43 = arith.constant 0 : index
      %swap3A_44 = arith.constant 0 : index
      %swap3A_45 = vector.load %arg8[%swap3A_43, %swap3A_44] : memref<2048x1xf32, #tpu.memory_space<vmem>>, vector<2048x1xf32>
      tpu.vector_store %arg8[%swap3A_43, %swap3A_44], %add3A_42 {strides = array<i32>} : memref<2048x1xf32, #tpu.memory_space<vmem>>, vector<2048x1xf32>,
      %broadcast_in_dim3A_46 = arith.constant 0.000000e+00 : f32
      %broadcast_in_dim3A_47 = vector.broadcast %broadcast_in_dim3A_46 : f32 to vector<1x1xf32>
      %swap3A_48 = arith.constant 0 : index
      %swap3A_49 = arith.constant 0 : index
      %swap3A_50 = vector.load %arg7[%swap3A_48, %swap3A_49] : memref<1x1xf32, #tpu.memory_space<vmem>>, vector<1x1xf32>
      tpu.vector_store %arg7[%swap3A_48, %swap3A_49], %broadcast_in_dim3A_47 {strides = array<i32>} : memref<1x1xf32, #tpu.memory_space<vmem>>, vector<1x1xf32>,
    } else {
    }
    %sub3A = arith.constant 7 : i32
    %sub3A_2 = arith.subi %sub3A, %arg0 : i32
    %sub3A_3 = arith.constant 8 : i32
    %sub3A_4 = arith.subi %sub3A_3, %arg0 : i32
    %iota3A = tpu.iota {dimensions = array<i32: 0>} : vector<256x256xi32>
    %iota3A_5 = tpu.iota {dimensions = array<i32: 1>} : vector<256x256xi32>
    %broadcast_in_dim3A = arith.constant 0.000000e+00 : f32
    %broadcast_in_dim3A_6 = vector.broadcast %broadcast_in_dim3A : f32 to vector<1x1xf32>
    %scan3A = arith.constant 0 : i32
    %scan3A_7 = arith.constant 9 : i32
    %scan3A_8 = arith.addi %scan3A, %scan3A_7 : i32
    %scan3A_9 = arith.constant 3 : i32
    %scan3A_10 = scf.for %scan3A_18 = %scan3A to %scan3A_8 step %scan3A_9 iter_args(%scan3A_19 = %broadcast_in_dim3A_6) -> (vector<1x1xf32>)  : i32 {
      %lt3A = arith.cmpi slt, %scan3A_18, %sub3A_4 : i32
      %select_n3A = arith.select %lt3A, %arg0, %sub3A_2 : i32
      %mul3A_20 = arith.constant 256 : i32
      %mul3A_21 = arith.muli %select_n3A, %mul3A_20 : i32
      %add3A_22 = arith.addi %arg0, %scan3A_18 : i32
      %sub3A_23 = arith.constant 1 : i32
      %sub3A_24 = arith.subi %scan3A_18, %sub3A_23 : i32
      %select_n3A_25 = arith.select %lt3A, %add3A_22, %sub3A_24 : i32
      %mul3A_26 = arith.constant 256 : i32
      %mul3A_27 = arith.muli %select_n3A_25, %mul3A_26 : i32
      %get3A_28 = arith.index_cast %mul3A_21 : i32 to index
      %get3A_29 = arith.constant 0 : index
      %get3A_30 = vector.load %arg5[%get3A_28, %get3A_29] : memref<2048x3xf32, #tpu.memory_space<vmem>>, vector<256x3xf32>
      %get3A_31 = arith.constant 0 : index
      %get3A_32 = arith.index_cast %mul3A_27 : i32 to index
      %get3A_33 = vector.load %arg6[%get3A_31, %get3A_32] : memref<3x2048xf32, #tpu.memory_space<vmem>>, vector<3x256xf32>
      %slice3A = vector.extract_strided_slice %get3A_30 {offsets = [0, 0], sizes = [256, 1], strides = [1, 1]} : vector<256x3xf32> to vector<256x1xf32>
      %slice3A_34 = vector.extract_strided_slice %get3A_33 {offsets = [0, 0], sizes = [1, 256], strides = [1, 1]} : vector<3x256xf32> to vector<1x256xf32>
      %sub3A_35 = vector.broadcast %slice3A : vector<256x1xf32> to vector<256x256xf32>
      %sub3A_36 = vector.broadcast %slice3A_34 : vector<1x256xf32> to vector<256x256xf32>
      %sub3A_37 = arith.subf %sub3A_35, %sub3A_36 : vector<256x256xf32>
      %slice3A_38 = vector.extract_strided_slice %get3A_30 {offsets = [0, 1], sizes = [256, 1], strides = [1, 1]} : vector<256x3xf32> to vector<256x1xf32>
      %slice3A_39 = vector.extract_strided_slice %get3A_33 {offsets = [1, 0], sizes = [1, 256], strides = [1, 1]} : vector<3x256xf32> to vector<1x256xf32>
      %sub3A_40 = vector.broadcast %slice3A_38 : vector<256x1xf32> to vector<256x256xf32>
      %sub3A_41 = vector.broadcast %slice3A_39 : vector<1x256xf32> to vector<256x256xf32>
      %sub3A_42 = arith.subf %sub3A_40, %sub3A_41 : vector<256x256xf32>
      %slice3A_43 = vector.extract_strided_slice %get3A_30 {offsets = [0, 2], sizes = [256, 1], strides = [1, 1]} : vector<256x3xf32> to vector<256x1xf32>
      %slice3A_44 = vector.extract_strided_slice %get3A_33 {offsets = [2, 0], sizes = [1, 256], strides = [1, 1]} : vector<3x256xf32> to vector<1x256xf32>
      %sub3A_45 = vector.broadcast %slice3A_43 : vector<256x1xf32> to vector<256x256xf32>
      %sub3A_46 = vector.broadcast %slice3A_44 : vector<1x256xf32> to vector<256x256xf32>
      %sub3A_47 = arith.subf %sub3A_45, %sub3A_46 : vector<256x256xf32>
      %mul3A_48 = arith.mulf %sub3A_37, %sub3A_37 : vector<256x256xf32>
      %mul3A_49 = arith.mulf %sub3A_42, %sub3A_42 : vector<256x256xf32>
      %add3A_50 = arith.addf %mul3A_48, %mul3A_49 : vector<256x256xf32>
      %mul3A_51 = arith.mulf %sub3A_47, %sub3A_47 : vector<256x256xf32>
      %add3A_52 = arith.addf %add3A_50, %mul3A_51 : vector<256x256xf32>
      %sub3A_53 = arith.subi %mul3A_27, %mul3A_21 : i32
      %add3A_54 = vector.broadcast %sub3A_53 : i32 to vector<256x256xi32>
      %add3A_55 = arith.addi %add3A_54, %iota3A_5 : vector<256x256xi32>
      %sub3A_56 = arith.subi %add3A_55, %iota3A : vector<256x256xi32>
      %gt3A = arith.constant 0 : i32
      %gt3A_57 = vector.broadcast %gt3A : i32 to vector<256x256xi32>
      %gt3A_58 = arith.cmpi sgt, %sub3A_56, %gt3A_57 : vector<256x256xi32>
      %gt3A_59 = arith.constant 0.000000e+00 : f32
      %gt3A_60 = vector.broadcast %gt3A_59 : f32 to vector<256x256xf32>
      %gt3A_61 = arith.cmpf ogt, %add3A_52, %gt3A_60 : vector<256x256xf32>
      %and3A = arith.andi %gt3A_58, %gt3A_61 : vector<256x256xi1>
      %jit3A = arith.constant 1.000000e+00 : f32
      %broadcast_in_dim3A_62 = vector.broadcast %jit3A : f32 to vector<256x256xf32>
      %select_n3A_63 = arith.select %and3A, %add3A_52, %broadcast_in_dim3A_62 : vector<256x256xi1>, vector<256x256xf32>
      %rsqrt3A = math.rsqrt %select_n3A_63 : vector<256x256xf32>
      %mul3A_64 = arith.mulf %select_n3A_63, %rsqrt3A : vector<256x256xf32>
      %sub3A_65 = arith.constant 1.250000e+00 : f32
      %sub3A_66 = vector.broadcast %sub3A_65 : f32 to vector<256x256xf32>
      %sub3A_67 = arith.subf %mul3A_64, %sub3A_66 : vector<256x256xf32>
      %mul3A_68 = arith.constant 4.000000e-01 : f32
      %mul3A_69 = vector.broadcast %mul3A_68 : f32 to vector<256x256xf32>
      %mul3A_70 = arith.mulf %sub3A_67, %mul3A_69 : vector<256x256xf32>
      %jit3A_71 = arith.constant 9.99999974E-5 : f32
      %jit3A_72 = arith.constant 0.999899983 : f32
      %max3A = vector.broadcast %jit3A_71 : f32 to vector<256x256xf32>
      %max3A_73 = arith.maximumf %max3A, %mul3A_70 : vector<256x256xf32>
      %min3A = vector.broadcast %jit3A_72 : f32 to vector<256x256xf32>
      %min3A_74 = arith.minimumf %min3A, %max3A_73 : vector<256x256xf32>
      %mul3A_75 = arith.constant 2.000000e+00 : f32
      %mul3A_76 = vector.broadcast %mul3A_75 : f32 to vector<256x256xf32>
      %mul3A_77 = arith.mulf %mul3A_76, %min3A_74 : vector<256x256xf32>
      %sub3A_78 = arith.constant 1.000000e+00 : f32
      %sub3A_79 = vector.broadcast %sub3A_78 : f32 to vector<256x256xf32>
      %sub3A_80 = arith.subf %mul3A_77, %sub3A_79 : vector<256x256xf32>
      %mul3A_81 = arith.mulf %min3A_74, %min3A_74 : vector<256x256xf32>
      %sub3A_82 = arith.subf %min3A_74, %mul3A_81 : vector<256x256xf32>
      %div3A = arith.divf %sub3A_80, %sub3A_82 : vector<256x256xf32>
      %exp3A = math.exp %div3A : vector<256x256xf32>
      %add3A_83 = arith.constant 1.000000e+00 : f32
      %add3A_84 = vector.broadcast %add3A_83 : f32 to vector<256x256xf32>
      %add3A_85 = arith.addf %add3A_84, %exp3A : vector<256x256xf32>
      %div3A_86 = arith.constant 1.000000e+00 : f32
      %div3A_87 = vector.broadcast %div3A_86 : f32 to vector<256x256xf32>
      %div3A_88 = arith.divf %div3A_87, %add3A_85 : vector<256x256xf32>
      %add3A_89 = arith.constant 1.000000e+00 : f32
      %add3A_90 = vector.broadcast %add3A_89 : f32 to vector<256x256xf32>
      %add3A_91 = arith.addf %select_n3A_63, %add3A_90 : vector<256x256xf32>
      %rsqrt3A_92 = math.rsqrt %add3A_91 : vector<256x256xf32>
      %sub3A_93 = arith.subf %rsqrt3A_92, %rsqrt3A : vector<256x256xf32>
      %mul3A_94 = arith.mulf %div3A_88, %sub3A_93 : vector<256x256xf32>
      %add3A_95 = arith.addf %mul3A_94, %rsqrt3A : vector<256x256xf32>
      %jit3A_96 = arith.constant 0.000000e+00 : f32
      %broadcast_in_dim3A_97 = vector.broadcast %jit3A_96 : f32 to vector<256x256xf32>
      %select_n3A_98 = arith.select %and3A, %add3A_95, %broadcast_in_dim3A_97 : vector<256x256xi1>, vector<256x256xf32>
      %get3A_99 = arith.index_cast %mul3A_27 : i32 to index
      %get3A_100 = arith.constant 0 : index
      %get3A_101 = vector.load %arg8[%get3A_99, %get3A_100] : memref<2048x1xf32, #tpu.memory_space<vmem>>, vector<256x1xf32>
      %dot_general3A = arith.constant dense<0.000000e+00> : vector<256x1xf32>
      %dot_general3A_102 = tpu.matmul %select_n3A_98, %get3A_101, %dot_general3A {dimension_numbers = #tpu.dot_dimension_numbers<[1], [0], [0], [1], [0, 0, 1, 1], [], []>, transpose_lhs_hint = false} : vector<256x256xf32>, vector<256x1xf32>, vector<256x1xf32> -> vector<256x1xf32>
      %get3A_103 = arith.index_cast %mul3A_21 : i32 to index
      %get3A_104 = arith.constant 0 : index
      %get3A_105 = vector.load %arg8[%get3A_103, %get3A_104] : memref<2048x1xf32, #tpu.memory_space<vmem>>, vector<256x1xf32>
      %mul3A_106 = arith.mulf %get3A_105, %dot_general3A_102 : vector<256x1xf32>
      %reduce_sum3A = vector.shape_cast %mul3A_106 : vector<256x1xf32> to vector<1x256x1xf32>
      %reduce_sum3A_107 = arith.constant dense<0.000000e+00> : vector<1xf32>
      %reduce_sum3A_108 = vector.multi_reduction <add>, %reduce_sum3A, %reduce_sum3A_107 [1, 2] : vector<1x256x1xf32> to vector<1xf32>
      %reduce_sum3A_109 = vector.shape_cast %reduce_sum3A_108 : vector<1xf32> to vector<1x1x1xf32>
      %reduce_sum3A_110 = vector.extract %reduce_sum3A_109[0, 0, 0] : f32 from vector<1x1x1xf32>
      %broadcast_in_dim3A_111 = vector.broadcast %reduce_sum3A_110 : f32 to vector<1x1xf32>
      %add3A_112 = arith.addf %scan3A_19, %broadcast_in_dim3A_111 : vector<1x1xf32>
      %scan3A_113 = arith.constant 1 : i32
      %scan3A_114 = arith.addi %scan3A_18, %scan3A_113 : i32
      %lt3A_115 = arith.cmpi slt, %scan3A_114, %sub3A_4 : i32
      %select_n3A_116 = arith.select %lt3A_115, %arg0, %sub3A_2 : i32
      %mul3A_117 = arith.constant 256 : i32
      %mul3A_118 = arith.muli %select_n3A_116, %mul3A_117 : i32
      %add3A_119 = arith.addi %arg0, %scan3A_114 : i32
      %sub3A_120 = arith.constant 1 : i32
      %sub3A_121 = arith.subi %scan3A_114, %sub3A_120 : i32
      %select_n3A_122 = arith.select %lt3A_115, %add3A_119, %sub3A_121 : i32
      %mul3A_123 = arith.constant 256 : i32
      %mul3A_124 = arith.muli %select_n3A_122, %mul3A_123 : i32
      %get3A_125 = arith.index_cast %mul3A_118 : i32 to index
      %get3A_126 = arith.constant 0 : index
      %get3A_127 = vector.load %arg5[%get3A_125, %get3A_126] : memref<2048x3xf32, #tpu.memory_space<vmem>>, vector<256x3xf32>
      %get3A_128 = arith.constant 0 : index
      %get3A_129 = arith.index_cast %mul3A_124 : i32 to index
      %get3A_130 = vector.load %arg6[%get3A_128, %get3A_129] : memref<3x2048xf32, #tpu.memory_space<vmem>>, vector<3x256xf32>
      %slice3A_131 = vector.extract_strided_slice %get3A_127 {offsets = [0, 0], sizes = [256, 1], strides = [1, 1]} : vector<256x3xf32> to vector<256x1xf32>
      %slice3A_132 = vector.extract_strided_slice %get3A_130 {offsets = [0, 0], sizes = [1, 256], strides = [1, 1]} : vector<3x256xf32> to vector<1x256xf32>
      %sub3A_133 = vector.broadcast %slice3A_131 : vector<256x1xf32> to vector<256x256xf32>
      %sub3A_134 = vector.broadcast %slice3A_132 : vector<1x256xf32> to vector<256x256xf32>
      %sub3A_135 = arith.subf %sub3A_133, %sub3A_134 : vector<256x256xf32>
      %slice3A_136 = vector.extract_strided_slice %get3A_127 {offsets = [0, 1], sizes = [256, 1], strides = [1, 1]} : vector<256x3xf32> to vector<256x1xf32>
      %slice3A_137 = vector.extract_strided_slice %get3A_130 {offsets = [1, 0], sizes = [1, 256], strides = [1, 1]} : vector<3x256xf32> to vector<1x256xf32>
      %sub3A_138 = vector.broadcast %slice3A_136 : vector<256x1xf32> to vector<256x256xf32>
      %sub3A_139 = vector.broadcast %slice3A_137 : vector<1x256xf32> to vector<256x256xf32>
      %sub3A_140 = arith.subf %sub3A_138, %sub3A_139 : vector<256x256xf32>
      %slice3A_141 = vector.extract_strided_slice %get3A_127 {offsets = [0, 2], sizes = [256, 1], strides = [1, 1]} : vector<256x3xf32> to vector<256x1xf32>
      %slice3A_142 = vector.extract_strided_slice %get3A_130 {offsets = [2, 0], sizes = [1, 256], strides = [1, 1]} : vector<3x256xf32> to vector<1x256xf32>
      %sub3A_143 = vector.broadcast %slice3A_141 : vector<256x1xf32> to vector<256x256xf32>
      %sub3A_144 = vector.broadcast %slice3A_142 : vector<1x256xf32> to vector<256x256xf32>
      %sub3A_145 = arith.subf %sub3A_143, %sub3A_144 : vector<256x256xf32>
      %mul3A_146 = arith.mulf %sub3A_135, %sub3A_135 : vector<256x256xf32>
      %mul3A_147 = arith.mulf %sub3A_140, %sub3A_140 : vector<256x256xf32>
      %add3A_148 = arith.addf %mul3A_146, %mul3A_147 : vector<256x256xf32>
      %mul3A_149 = arith.mulf %sub3A_145, %sub3A_145 : vector<256x256xf32>
      %add3A_150 = arith.addf %add3A_148, %mul3A_149 : vector<256x256xf32>
      %sub3A_151 = arith.subi %mul3A_124, %mul3A_118 : i32
      %add3A_152 = vector.broadcast %sub3A_151 : i32 to vector<256x256xi32>
      %add3A_153 = arith.addi %add3A_152, %iota3A_5 : vector<256x256xi32>
      %sub3A_154 = arith.subi %add3A_153, %iota3A : vector<256x256xi32>
      %gt3A_155 = arith.constant 0 : i32
      %gt3A_156 = vector.broadcast %gt3A_155 : i32 to vector<256x256xi32>
      %gt3A_157 = arith.cmpi sgt, %sub3A_154, %gt3A_156 : vector<256x256xi32>
      %gt3A_158 = arith.constant 0.000000e+00 : f32
      %gt3A_159 = vector.broadcast %gt3A_158 : f32 to vector<256x256xf32>
      %gt3A_160 = arith.cmpf ogt, %add3A_150, %gt3A_159 : vector<256x256xf32>
      %and3A_161 = arith.andi %gt3A_157, %gt3A_160 : vector<256x256xi1>
      %jit3A_162 = arith.constant 1.000000e+00 : f32
      %broadcast_in_dim3A_163 = vector.broadcast %jit3A_162 : f32 to vector<256x256xf32>
      %select_n3A_164 = arith.select %and3A_161, %add3A_150, %broadcast_in_dim3A_163 : vector<256x256xi1>, vector<256x256xf32>
      %rsqrt3A_165 = math.rsqrt %select_n3A_164 : vector<256x256xf32>
      %mul3A_166 = arith.mulf %select_n3A_164, %rsqrt3A_165 : vector<256x256xf32>
      %sub3A_167 = arith.constant 1.250000e+00 : f32
      %sub3A_168 = vector.broadcast %sub3A_167 : f32 to vector<256x256xf32>
      %sub3A_169 = arith.subf %mul3A_166, %sub3A_168 : vector<256x256xf32>
      %mul3A_170 = arith.constant 4.000000e-01 : f32
      %mul3A_171 = vector.broadcast %mul3A_170 : f32 to vector<256x256xf32>
      %mul3A_172 = arith.mulf %sub3A_169, %mul3A_171 : vector<256x256xf32>
      %jit3A_173 = arith.constant 9.99999974E-5 : f32
      %jit3A_174 = arith.constant 0.999899983 : f32
      %max3A_175 = vector.broadcast %jit3A_173 : f32 to vector<256x256xf32>
      %max3A_176 = arith.maximumf %max3A_175, %mul3A_172 : vector<256x256xf32>
      %min3A_177 = vector.broadcast %jit3A_174 : f32 to vector<256x256xf32>
      %min3A_178 = arith.minimumf %min3A_177, %max3A_176 : vector<256x256xf32>
      %mul3A_179 = arith.constant 2.000000e+00 : f32
      %mul3A_180 = vector.broadcast %mul3A_179 : f32 to vector<256x256xf32>
      %mul3A_181 = arith.mulf %mul3A_180, %min3A_178 : vector<256x256xf32>
      %sub3A_182 = arith.constant 1.000000e+00 : f32
      %sub3A_183 = vector.broadcast %sub3A_182 : f32 to vector<256x256xf32>
      %sub3A_184 = arith.subf %mul3A_181, %sub3A_183 : vector<256x256xf32>
      %mul3A_185 = arith.mulf %min3A_178, %min3A_178 : vector<256x256xf32>
      %sub3A_186 = arith.subf %min3A_178, %mul3A_185 : vector<256x256xf32>
      %div3A_187 = arith.divf %sub3A_184, %sub3A_186 : vector<256x256xf32>
      %exp3A_188 = math.exp %div3A_187 : vector<256x256xf32>
      %add3A_189 = arith.constant 1.000000e+00 : f32
      %add3A_190 = vector.broadcast %add3A_189 : f32 to vector<256x256xf32>
      %add3A_191 = arith.addf %add3A_190, %exp3A_188 : vector<256x256xf32>
      %div3A_192 = arith.constant 1.000000e+00 : f32
      %div3A_193 = vector.broadcast %div3A_192 : f32 to vector<256x256xf32>
      %div3A_194 = arith.divf %div3A_193, %add3A_191 : vector<256x256xf32>
      %add3A_195 = arith.constant 1.000000e+00 : f32
      %add3A_196 = vector.broadcast %add3A_195 : f32 to vector<256x256xf32>
      %add3A_197 = arith.addf %select_n3A_164, %add3A_196 : vector<256x256xf32>
      %rsqrt3A_198 = math.rsqrt %add3A_197 : vector<256x256xf32>
      %sub3A_199 = arith.subf %rsqrt3A_198, %rsqrt3A_165 : vector<256x256xf32>
      %mul3A_200 = arith.mulf %div3A_194, %sub3A_199 : vector<256x256xf32>
      %add3A_201 = arith.addf %mul3A_200, %rsqrt3A_165 : vector<256x256xf32>
      %jit3A_202 = arith.constant 0.000000e+00 : f32
      %broadcast_in_dim3A_203 = vector.broadcast %jit3A_202 : f32 to vector<256x256xf32>
      %select_n3A_204 = arith.select %and3A_161, %add3A_201, %broadcast_in_dim3A_203 : vector<256x256xi1>, vector<256x256xf32>
      %get3A_205 = arith.index_cast %mul3A_124 : i32 to index
      %get3A_206 = arith.constant 0 : index
      %get3A_207 = vector.load %arg8[%get3A_205, %get3A_206] : memref<2048x1xf32, #tpu.memory_space<vmem>>, vector<256x1xf32>
      %dot_general3A_208 = arith.constant dense<0.000000e+00> : vector<256x1xf32>
      %dot_general3A_209 = tpu.matmul %select_n3A_204, %get3A_207, %dot_general3A_208 {dimension_numbers = #tpu.dot_dimension_numbers<[1], [0], [0], [1], [0, 0, 1, 1], [], []>, transpose_lhs_hint = false} : vector<256x256xf32>, vector<256x1xf32>, vector<256x1xf32> -> vector<256x1xf32>
      %get3A_210 = arith.index_cast %mul3A_118 : i32 to index
      %get3A_211 = arith.constant 0 : index
      %get3A_212 = vector.load %arg8[%get3A_210, %get3A_211] : memref<2048x1xf32, #tpu.memory_space<vmem>>, vector<256x1xf32>
      %mul3A_213 = arith.mulf %get3A_212, %dot_general3A_209 : vector<256x1xf32>
      %reduce_sum3A_214 = vector.shape_cast %mul3A_213 : vector<256x1xf32> to vector<1x256x1xf32>
      %reduce_sum3A_215 = arith.constant dense<0.000000e+00> : vector<1xf32>
      %reduce_sum3A_216 = vector.multi_reduction <add>, %reduce_sum3A_214, %reduce_sum3A_215 [1, 2] : vector<1x256x1xf32> to vector<1xf32>
      %reduce_sum3A_217 = vector.shape_cast %reduce_sum3A_216 : vector<1xf32> to vector<1x1x1xf32>
      %reduce_sum3A_218 = vector.extract %reduce_sum3A_217[0, 0, 0] : f32 from vector<1x1x1xf32>
      %broadcast_in_dim3A_219 = vector.broadcast %reduce_sum3A_218 : f32 to vector<1x1xf32>
      %add3A_220 = arith.addf %add3A_112, %broadcast_in_dim3A_219 : vector<1x1xf32>
      %scan3A_221 = arith.constant 2 : i32
      %scan3A_222 = arith.addi %scan3A_18, %scan3A_221 : i32
      %lt3A_223 = arith.cmpi slt, %scan3A_222, %sub3A_4 : i32
      %select_n3A_224 = arith.select %lt3A_223, %arg0, %sub3A_2 : i32
      %mul3A_225 = arith.constant 256 : i32
      %mul3A_226 = arith.muli %select_n3A_224, %mul3A_225 : i32
      %add3A_227 = arith.addi %arg0, %scan3A_222 : i32
      %sub3A_228 = arith.constant 1 : i32
      %sub3A_229 = arith.subi %scan3A_222, %sub3A_228 : i32
      %select_n3A_230 = arith.select %lt3A_223, %add3A_227, %sub3A_229 : i32
      %mul3A_231 = arith.constant 256 : i32
      %mul3A_232 = arith.muli %select_n3A_230, %mul3A_231 : i32
      %get3A_233 = arith.index_cast %mul3A_226 : i32 to index
      %get3A_234 = arith.constant 0 : index
      %get3A_235 = vector.load %arg5[%get3A_233, %get3A_234] : memref<2048x3xf32, #tpu.memory_space<vmem>>, vector<256x3xf32>
      %get3A_236 = arith.constant 0 : index
      %get3A_237 = arith.index_cast %mul3A_232 : i32 to index
      %get3A_238 = vector.load %arg6[%get3A_236, %get3A_237] : memref<3x2048xf32, #tpu.memory_space<vmem>>, vector<3x256xf32>
      %slice3A_239 = vector.extract_strided_slice %get3A_235 {offsets = [0, 0], sizes = [256, 1], strides = [1, 1]} : vector<256x3xf32> to vector<256x1xf32>
      %slice3A_240 = vector.extract_strided_slice %get3A_238 {offsets = [0, 0], sizes = [1, 256], strides = [1, 1]} : vector<3x256xf32> to vector<1x256xf32>
      %sub3A_241 = vector.broadcast %slice3A_239 : vector<256x1xf32> to vector<256x256xf32>
      %sub3A_242 = vector.broadcast %slice3A_240 : vector<1x256xf32> to vector<256x256xf32>
      %sub3A_243 = arith.subf %sub3A_241, %sub3A_242 : vector<256x256xf32>
      %slice3A_244 = vector.extract_strided_slice %get3A_235 {offsets = [0, 1], sizes = [256, 1], strides = [1, 1]} : vector<256x3xf32> to vector<256x1xf32>
      %slice3A_245 = vector.extract_strided_slice %get3A_238 {offsets = [1, 0], sizes = [1, 256], strides = [1, 1]} : vector<3x256xf32> to vector<1x256xf32>
      %sub3A_246 = vector.broadcast %slice3A_244 : vector<256x1xf32> to vector<256x256xf32>
      %sub3A_247 = vector.broadcast %slice3A_245 : vector<1x256xf32> to vector<256x256xf32>
      %sub3A_248 = arith.subf %sub3A_246, %sub3A_247 : vector<256x256xf32>
      %slice3A_249 = vector.extract_strided_slice %get3A_235 {offsets = [0, 2], sizes = [256, 1], strides = [1, 1]} : vector<256x3xf32> to vector<256x1xf32>
      %slice3A_250 = vector.extract_strided_slice %get3A_238 {offsets = [2, 0], sizes = [1, 256], strides = [1, 1]} : vector<3x256xf32> to vector<1x256xf32>
      %sub3A_251 = vector.broadcast %slice3A_249 : vector<256x1xf32> to vector<256x256xf32>
      %sub3A_252 = vector.broadcast %slice3A_250 : vector<1x256xf32> to vector<256x256xf32>
      %sub3A_253 = arith.subf %sub3A_251, %sub3A_252 : vector<256x256xf32>
      %mul3A_254 = arith.mulf %sub3A_243, %sub3A_243 : vector<256x256xf32>
      %mul3A_255 = arith.mulf %sub3A_248, %sub3A_248 : vector<256x256xf32>
      %add3A_256 = arith.addf %mul3A_254, %mul3A_255 : vector<256x256xf32>
      %mul3A_257 = arith.mulf %sub3A_253, %sub3A_253 : vector<256x256xf32>
      %add3A_258 = arith.addf %add3A_256, %mul3A_257 : vector<256x256xf32>
      %sub3A_259 = arith.subi %mul3A_232, %mul3A_226 : i32
      %add3A_260 = vector.broadcast %sub3A_259 : i32 to vector<256x256xi32>
      %add3A_261 = arith.addi %add3A_260, %iota3A_5 : vector<256x256xi32>
      %sub3A_262 = arith.subi %add3A_261, %iota3A : vector<256x256xi32>
      %gt3A_263 = arith.constant 0 : i32
      %gt3A_264 = vector.broadcast %gt3A_263 : i32 to vector<256x256xi32>
      %gt3A_265 = arith.cmpi sgt, %sub3A_262, %gt3A_264 : vector<256x256xi32>
      %gt3A_266 = arith.constant 0.000000e+00 : f32
      %gt3A_267 = vector.broadcast %gt3A_266 : f32 to vector<256x256xf32>
      %gt3A_268 = arith.cmpf ogt, %add3A_258, %gt3A_267 : vector<256x256xf32>
      %and3A_269 = arith.andi %gt3A_265, %gt3A_268 : vector<256x256xi1>
      %jit3A_270 = arith.constant 1.000000e+00 : f32
      %broadcast_in_dim3A_271 = vector.broadcast %jit3A_270 : f32 to vector<256x256xf32>
      %select_n3A_272 = arith.select %and3A_269, %add3A_258, %broadcast_in_dim3A_271 : vector<256x256xi1>, vector<256x256xf32>
      %rsqrt3A_273 = math.rsqrt %select_n3A_272 : vector<256x256xf32>
      %mul3A_274 = arith.mulf %select_n3A_272, %rsqrt3A_273 : vector<256x256xf32>
      %sub3A_275 = arith.constant 1.250000e+00 : f32
      %sub3A_276 = vector.broadcast %sub3A_275 : f32 to vector<256x256xf32>
      %sub3A_277 = arith.subf %mul3A_274, %sub3A_276 : vector<256x256xf32>
      %mul3A_278 = arith.constant 4.000000e-01 : f32
      %mul3A_279 = vector.broadcast %mul3A_278 : f32 to vector<256x256xf32>
      %mul3A_280 = arith.mulf %sub3A_277, %mul3A_279 : vector<256x256xf32>
      %jit3A_281 = arith.constant 9.99999974E-5 : f32
      %jit3A_282 = arith.constant 0.999899983 : f32
      %max3A_283 = vector.broadcast %jit3A_281 : f32 to vector<256x256xf32>
      %max3A_284 = arith.maximumf %max3A_283, %mul3A_280 : vector<256x256xf32>
      %min3A_285 = vector.broadcast %jit3A_282 : f32 to vector<256x256xf32>
      %min3A_286 = arith.minimumf %min3A_285, %max3A_284 : vector<256x256xf32>
      %mul3A_287 = arith.constant 2.000000e+00 : f32
      %mul3A_288 = vector.broadcast %mul3A_287 : f32 to vector<256x256xf32>
      %mul3A_289 = arith.mulf %mul3A_288, %min3A_286 : vector<256x256xf32>
      %sub3A_290 = arith.constant 1.000000e+00 : f32
      %sub3A_291 = vector.broadcast %sub3A_290 : f32 to vector<256x256xf32>
      %sub3A_292 = arith.subf %mul3A_289, %sub3A_291 : vector<256x256xf32>
      %mul3A_293 = arith.mulf %min3A_286, %min3A_286 : vector<256x256xf32>
      %sub3A_294 = arith.subf %min3A_286, %mul3A_293 : vector<256x256xf32>
      %div3A_295 = arith.divf %sub3A_292, %sub3A_294 : vector<256x256xf32>
      %exp3A_296 = math.exp %div3A_295 : vector<256x256xf32>
      %add3A_297 = arith.constant 1.000000e+00 : f32
      %add3A_298 = vector.broadcast %add3A_297 : f32 to vector<256x256xf32>
      %add3A_299 = arith.addf %add3A_298, %exp3A_296 : vector<256x256xf32>
      %div3A_300 = arith.constant 1.000000e+00 : f32
      %div3A_301 = vector.broadcast %div3A_300 : f32 to vector<256x256xf32>
      %div3A_302 = arith.divf %div3A_301, %add3A_299 : vector<256x256xf32>
      %add3A_303 = arith.constant 1.000000e+00 : f32
      %add3A_304 = vector.broadcast %add3A_303 : f32 to vector<256x256xf32>
      %add3A_305 = arith.addf %select_n3A_272, %add3A_304 : vector<256x256xf32>
      %rsqrt3A_306 = math.rsqrt %add3A_305 : vector<256x256xf32>
      %sub3A_307 = arith.subf %rsqrt3A_306, %rsqrt3A_273 : vector<256x256xf32>
      %mul3A_308 = arith.mulf %div3A_302, %sub3A_307 : vector<256x256xf32>
      %add3A_309 = arith.addf %mul3A_308, %rsqrt3A_273 : vector<256x256xf32>
      %jit3A_310 = arith.constant 0.000000e+00 : f32
      %broadcast_in_dim3A_311 = vector.broadcast %jit3A_310 : f32 to vector<256x256xf32>
      %select_n3A_312 = arith.select %and3A_269, %add3A_309, %broadcast_in_dim3A_311 : vector<256x256xi1>, vector<256x256xf32>
      %get3A_313 = arith.index_cast %mul3A_232 : i32 to index
      %get3A_314 = arith.constant 0 : index
      %get3A_315 = vector.load %arg8[%get3A_313, %get3A_314] : memref<2048x1xf32, #tpu.memory_space<vmem>>, vector<256x1xf32>
      %dot_general3A_316 = arith.constant dense<0.000000e+00> : vector<256x1xf32>
      %dot_general3A_317 = tpu.matmul %select_n3A_312, %get3A_315, %dot_general3A_316 {dimension_numbers = #tpu.dot_dimension_numbers<[1], [0], [0], [1], [0, 0, 1, 1], [], []>, transpose_lhs_hint = false} : vector<256x256xf32>, vector<256x1xf32>, vector<256x1xf32> -> vector<256x1xf32>
      %get3A_318 = arith.index_cast %mul3A_226 : i32 to index
      %get3A_319 = arith.constant 0 : index
      %get3A_320 = vector.load %arg8[%get3A_318, %get3A_319] : memref<2048x1xf32, #tpu.memory_space<vmem>>, vector<256x1xf32>
      %mul3A_321 = arith.mulf %get3A_320, %dot_general3A_317 : vector<256x1xf32>
      %reduce_sum3A_322 = vector.shape_cast %mul3A_321 : vector<256x1xf32> to vector<1x256x1xf32>
      %reduce_sum3A_323 = arith.constant dense<0.000000e+00> : vector<1xf32>
      %reduce_sum3A_324 = vector.multi_reduction <add>, %reduce_sum3A_322, %reduce_sum3A_323 [1, 2] : vector<1x256x1xf32> to vector<1xf32>
      %reduce_sum3A_325 = vector.shape_cast %reduce_sum3A_324 : vector<1xf32> to vector<1x1x1xf32>
      %reduce_sum3A_326 = vector.extract %reduce_sum3A_325[0, 0, 0] : f32 from vector<1x1x1xf32>
      %broadcast_in_dim3A_327 = vector.broadcast %reduce_sum3A_326 : f32 to vector<1x1xf32>
      %add3A_328 = arith.addf %add3A_220, %broadcast_in_dim3A_327 : vector<1x1xf32>
      scf.yield %add3A_328 : vector<1x1xf32>
    }
    %scan3A_11 = arith.constant 9 : i32
    %get3A = arith.constant 0 : index
    %get3A_12 = arith.constant 0 : index
    %get3A_13 = vector.load %arg7[%get3A, %get3A_12] : memref<1x1xf32, #tpu.memory_space<vmem>>, vector<1x1xf32>
    %mul3A = arith.constant 332.063721 : f32
    %mul3A_14 = vector.broadcast %mul3A : f32 to vector<1x1xf32>
    %mul3A_15 = arith.mulf %mul3A_14, %scan3A_10 : vector<1x1xf32>
    %add3A = arith.addf %get3A_13, %mul3A_15 : vector<1x1xf32>
    %swap3A = arith.constant 0 : index
    %swap3A_16 = arith.constant 0 : index
    %swap3A_17 = vector.load %arg7[%swap3A, %swap3A_16] : memref<1x1xf32, #tpu.memory_space<vmem>>, vector<1x1xf32>
    tpu.vector_store %arg7[%swap3A, %swap3A_16], %add3A {strides = array<i32>} : memref<1x1xf32, #tpu.memory_space<vmem>>, vector<1x1xf32>,
    return
  }
  func.func @transform_0(%arg0: i32) -> (i32, i32) {
    %c0_i32 = arith.constant 0 : i32
    %c0_i32_0 = arith.constant 0 : i32
    %c0_i32_1 = arith.constant 0 : i32
    return %c0_i32, %c0_i32_0 : i32, i32
  }
  func.func @transform_1(%arg0: i32) -> (i32, i32) {
    %c0_i32 = arith.constant 0 : i32
    %c0_i32_0 = arith.constant 0 : i32
    %c0_i32_1 = arith.constant 0 : i32
    return %c0_i32, %c0_i32_0 : i32, i32
  }
  func.func @transform_2(%arg0: i32) -> (i32, i32) {
    %c0_i32 = arith.constant 0 : i32
    %c0_i32_0 = arith.constant 0 : i32
    %c0_i32_1 = arith.constant 0 : i32
    return %c0_i32, %c0_i32_0 : i32, i32
  }
  func.func @transform_3(%arg0: i32) -> (i32, i32) {
    %c0_i32 = arith.constant 0 : i32
    %c0_i32_0 = arith.constant 0 : i32
    %c0_i32_1 = arith.constant 0 : i32
    return %c0_i32, %c0_i32_0 : i32, i32
  }
  func.func @transform_4(%arg0: i32) -> (i32, i32) {
    %c0_i32 = arith.constant 0 : i32
    %c0_i32_0 = arith.constant 0 : i32
    %c0_i32_1 = arith.constant 0 : i32
    return %c0_i32, %c0_i32_0 : i32, i32
  }
  func.func @transform_5(%arg0: i32) -> (i32, i32) {
    %c0_i32 = arith.constant 0 : i32
    %c0_i32_0 = arith.constant 0 : i32
    %c0_i32_1 = arith.constant 0 : i32
    return %c0_i32, %c0_i32_0 : i32, i32
  }
  func.func @transform_6(%arg0: i32) -> (i32, i32) {
    %c0_i32 = arith.constant 0 : i32
    %c0_i32_0 = arith.constant 0 : i32
    %c0_i32_1 = arith.constant 0 : i32
    return %c0_i32, %c0_i32_0 : i32, i32
  }
  func.func @transform_7(%arg0: i32) -> (i32, i32) {
    %c0_i32 = arith.constant 0 : i32
    %c0_i32_0 = arith.constant 0 : i32
    %c0_i32_1 = arith.constant 0 : i32
    return %c0_i32, %c0_i32_0 : i32, i32
  }
}

</mosaic_0001>

<sc_bundles>
// kernel: kernel.4.cloned.1.call-start
scs
__scs_entry_jumppad:
0x0: {  	(pc) =	sbr.rel $0x88, $3  }
0x1: {  	(tag) =	ssettag $0x0;
	lr =	simm.s32 $0x1  }
0x2: {  	[smem:$0x3F9B] =	sst lr;
	_ =	strace $0xD0000000  }
0x3: {  	_ = 	snop  }
0x4: {  	_ = 	snop  }
0x5: {  	_ = 	snop  }
0x6: {  	_ = 	snop  }
0x7: {  	_ = 	snop  }
__scs_overlays_trampoline_lowered:
0x8: {  	[smem:$0x3FAA] =	sst s0  }
0x9: {  	[smem:$0x3FAB] =	sst s1  }
0xa: {  	[smem:$0x3FAC] =	sst s2  }
0xb: {  	[smem:$0x3FAD] =	sst s3  }
0xc: {  	[smem:$0x3FAE] =	sst s4  }
0xd: {  	[smem:$0x3FAF] =	sst s5  }
0xe: {  	[smem:$0x3FB0] =	sst s6  }
0xf: {  	[smem:$0x3FB1] =	sst s7  }
0x10: {  	[smem:$0x3FB2] =	sst s8  }
0x11: {  	[smem:$0x3FB3] =	sst s9;
	s0 =	simm.s32 @!p0 $0x0  }
0x12: {  	s1 =	sld [smem:$0x3F99];
	s0 =	simm.s32 @p0 $0x1  }
0x13: {  	[smem:$0x3FB4] =	sst s0;
	s0 =	simm.s32 @!p1 $0x0  }
0x14: {  	s2 =	sld [smem:$0x3F98];
	s0 =	simm.s32 @p1 $0x1  }
0x15: {  	[smem:$0x3FB5] =	sst s0;
	s0 =	simm.s32 @!p2 $0x0  }
0x16: {  	s3 =	sld [smem:$0x3FDB];
	s0 =	simm.s32 @p2 $0x1  }
0x17: {  	s4 =	simm.s32 $0x1BF5;
	[smem:$0x3FB7] =	sst s0  }
0x18: {  	s0 =	sld [smem:$0x3F9A];
	_ =	swait.ge [sflag:s4], $0x0  }
0x19: {  	s7 =	sld [smem:$0x3F9B]  }
0x1a: {  	s8 =	sadd.s32 $0xFFFFE003, lr  }
0x1b: {  	s9 =	sadd.s32 $0xFFFFFEF7, lr;
	s5 =	simm.s32 $0xFFFFFFFF;
	p2 =	slt.u32 s8, $0xFFFFF086  }
0x1c: {  	p1 =	slt.u32 s9, $0xF7A;
	s5 =	simm.s32 @!p2 $0x0  }
0x1d: {  	s5 =	simm.s32 @p1 $0x1;
	p0 =	seq.s32 s7, s2  }
0x1e: {  	s7 =	smul.u32 @!p0 $0xF7A, s2;
	p2 =	seq.s32 @!p0 s5, $0x0  }
0x1f: {  	s9 =	smul.u32 $0xF7A, s1;
	s8 =	simm.s32 @!p0 $0x1BF5;
	p2 =	por !p2, p0  }
0x20: {  	[sflag:s8] =	ssyncset.s32 @!p0 $0xFFFFF086;
	s6 =	sadd.s32 @!p0 s3, s7;
	s7 =	simm.s32 @!p0 $0x108  }
0x21: {  	s3 =	sadd.s32 s3, s9;
	s6 =	sadd.s32 @!p0 $0x88, s6;
	s7 =	simm.s32 @p2 $0x1082  }
0x22: {  	[simem:s7], [sflag:s8] =	dma.local @!p0 [hbm:s6], $0xF7A  }
0x23: {  	s9 =	sor.u32 $0xD0000000, s2;
	s6 =	simm.s32 $0x108;
	_ =	swait.ge @!p0 [sflag:s8], $0x0  }
0x24: {  	s3 =	sadd.s32 $0x88, s3;
	s6 =	simm.s32 @!p1 $0x1082;
	[sflag:s4] =	ssyncset.s32 $0xFFFFF086  }
0x25: {  	[simem:s6], [sflag:s4] =	dma.local [hbm:s3], $0xF7A  }
0x26: {  	[smem:$0x3F9B] =	sst s1;
	(tag) =	ssettag s2;
	_ =	strace s9  }
0x27: {  	s1 =	sld [smem:$0x3FAB]  }
0x28: {  	s2 =	sld [smem:$0x3FAC]  }
0x29: {  	s4 =	sld [smem:$0x3FAE]  }
0x2a: {  	p0 =	seq.s32 s5, $0x0;
	s5 =	sld [smem:$0x3FAF]  }
0x2b: {  	s6 =	sld [smem:$0x3FB0]  }
0x2c: {  	s7 =	sld [smem:$0x3FB1]  }
0x2d: {  	s3 =	simm.s32 $0x108;
	s8 =	sld [smem:$0x3FB2]  }
0x2e: {  	s3 =	simm.s32 @!p0 $0x1082;
	s9 =	sld [smem:$0x3FB3]  }
0x2f: {  	lr =	sadd.s32 s0, s3;
	s0 =	sld [smem:$0x3FAA]  }
0x30: {  	s3 =	sld [smem:$0x3FAD]  }
0x31: {  	[smem:$0x3FB6] =	sst s10  }
0x32: {  	s10 =	sld [smem:$0x3FB4];
	_ =	sdelay $0x3  }
0x33: {  	p0 =	seq.s32 s10, $0x1;
	s10 =	sld [smem:$0x3FB6];
	_ =	sdelay $0x3  }
0x34: {  	[smem:$0x3FB6] =	sst s10  }
0x35: {  	s10 =	sld [smem:$0x3FB5];
	_ =	sdelay $0x3  }
0x36: {  	p1 =	seq.s32 s10, $0x1;
	s10 =	sld [smem:$0x3FB6];
	_ =	sdelay $0x3  }
0x37: {  	[smem:$0x3FB6] =	sst s10  }
0x38: {  	s10 =	sld [smem:$0x3FB7]  }
0x39: {  	_ = 	snop;
	(pc) =	sbr.ind lr, $3  }
0x3a: {  	_ = 	snop  }
0x3b: {  	_ = 	snop  }
0x3c: {  	p2 =	seq.s32 s10, $0x1;
	s10 =	sld [smem:$0x3FB6]  }
0x3d: {  	_ =	shalt  }
0x3e: {  	_ =	shalt  }
0x3f: {  	_ =	shalt  }
0x40: {  	_ =	shalt  }
0x41: {  	_ =	shalt  }
0x42: {  	_ =	shalt  }
0x43: {  	_ =	shalt  }
0x44: {  	_ =	shalt  }
0x45: {  	_ =	shalt  }
0x46: {  	_ =	shalt  }
0x47: {  	_ =	shalt  }
0x48: {  	_ =	shalt  }
0x49: {  	_ =	shalt  }
0x4a: {  	_ =	shalt  }
0x4b: {  	_ =	shalt  }
0x4c: {  	_ =	shalt  }
0x4d: {  	_ =	shalt  }
0x4e: {  	_ =	shalt  }
0x4f: {  	_ =	shalt  }
0x50: {  	_ =	shalt  }
0x51: {  	_ =	shalt  }
0x52: {  	_ =	shalt  }
0x53: {  	_ =	shalt  }
0x54: {  	_ =	shalt  }
0x55: {  	_ =	shalt  }
0x56: {  	_ =	shalt  }
0x57: {  	_ =	shalt  }
0x58: {  	_ =	shalt  }
0x59: {  	_ =	shalt  }
0x5a: {  	_ =	shalt  }
0x5b: {  	_ =	shalt  }
0x5c: {  	_ =	shalt  }
0x5d: {  	_ =	shalt  }
0x5e: {  	_ =	shalt  }
0x5f: {  	_ =	shalt  }
0x60: {  	_ =	shalt  }
0x61: {  	_ =	shalt  }
0x62: {  	_ =	shalt  }
0x63: {  	_ =	shalt  }
0x64: {  	_ =	shalt  }
0x65: {  	_ =	shalt  }
0x66: {  	_ =	shalt  }
0x67: {  	_ =	shalt  }
0x68: {  	_ =	shalt  }
0x69: {  	_ =	shalt  }
0x6a: {  	_ =	shalt  }
0x6b: {  	_ =	shalt  }
0x6c: {  	_ =	shalt  }
0x6d: {  	_ =	shalt  }
0x6e: {  	_ =	shalt  }
0x6f: {  	_ =	shalt  }
0x70: {  	_ =	shalt  }
0x71: {  	_ =	shalt  }
0x72: {  	_ =	shalt  }
0x73: {  	_ =	shalt  }
0x74: {  	_ =	shalt  }
0x75: {  	_ =	shalt  }
0x76: {  	_ =	shalt  }
0x77: {  	_ =	shalt  }
0x78: {  	_ =	shalt  }
0x79: {  	_ =	shalt  }
0x7a: {  	_ =	shalt  }
0x7b: {  	_ =	shalt  }
0x7c: {  	_ =	shalt  }
0x7d: {  	_ =	shalt  }
0x7e: {  	_ =	shalt  }
0x7f: {  	_ =	shalt  }
0x80: {  	_ =	shalt  }
0x81: {  	_ =	shalt  }
0x82: {  	_ =	shalt  }
0x83: {  	_ =	shalt  }
0x84: {  	_ =	shalt  }
0x85: {  	_ =	shalt  }
0x86: {  	_ =	shalt  }
0x87: {  	_ =	shalt  }
.Lfunc_end0:
.L_simem_size_0:
called_computation_lowered:
.L_overlay_start_0:
0x88: {  	s2 =	sld [smem:$0x3FD9]  }
0x89: {  	s3 =	sld [smem:$0x3FFE];
	_ =	sdelay $0x1  }
0x8a: {  	s1 =	srdreg.scid  }
0x8b: {  	s0 =	sand.u32 $0x1, s1  }
0x8c: {  	s17 =	sshll.u32 s0, $0xA;
	s2 =	sadd.s32 s3, s2  }
0x8d: {  	s2 =	sadd.s32 s2, s17  }
0x8e: {  	[smem:$0x3FC2] =	sst s2  }
0x8f: {  	_ = 	snop  }
0x90: {  	s2 =	sld [smem:$0x3FC8];
	(tm) =	ssettm $0x1  }
0x91: {  	s18 =	sld [smem:$0x3FFB];
	_ =	sdelay $0x3  }
0x92: {  	_ =	strace s18  }
0x93: {  	s3 =	sld [smem:$0x3FFC];
	_ =	sdelay $0x3  }
0x94: {  	_ =	strace s3  }
0x95: {  	s3 =	sld [smem:$0x3FFD];
	_ =	sdelay $0x3  }
0x96: {  	_ =	strace s3  }
0x97: {  	_ =	strace $0x8FFFFFFF  }
0x98: {  	s19 =	sld [smem:$0x3FDB];
	_ =	sdelay $0x1  }
0x99: {  	s4 =	simm.s32 $_scs_section_size  }
0x9a: {  	s5 =	simm.s32 $_size__tile_overlayer_lowered;
	s6 =	simm.s32 $_tile_overlayer_lowered  }
0x9b: {  	s22 =	simm.s32 $0x1BFF;
	s21 =	sshll.u32 s6, $0x1;
	s3 =	sadd.s32 s4, s19  }
0x9c: {  	s7 =	simm.s32 $0x0;
	s20 =	sshll.u32 s5, $0x1;
	s5 =	sadd.s32 s21, s3  }
0x9d: {  	[timem:s7], [sflag:s22] =	dma.local [hbm:s5], s20  }
0x9e: {  	_ =	swait.ge [sflag:s22], s20  }
0x9f: {  	s4 =	ssub.s32 $0x0, s20;
	[sflag:s22] =	ssyncset.done $0x0  }
0xa0: {  	[sflag:s22] =	ssyncadd.s32 s4;
	_ =	sdelay $0x1  }
0xa1: {  	s23 =	simm.s32 $0x1B8B  }
0xa2: {  	_ =	swait.ge [sflag:s23], $0x1  }
0xa3: {  	[sflag:s23] =	ssyncset.done $0x0  }
0xa4: {  	s25 =	simm.s32 $0x1B8E;
	s24 =	sld [smem:$0x3FFE];
	[sflag:s23] =	ssyncadd.s32 $0xFFFFFFFF  }
0xa5: {  	s26 =	simm.s32 $execute0_lowered;
	[smem:$0x3FD2] =	sst s25  }
0xa6: {  	s5 =	sshll.u32 s26, $0x1;
	_ =	strace $0x80000046;
	[dreg:$0x1] =	wrdreg $0xFFFFFFFF  }
0xa7: {  	s28 =	simm.s32 $_size_execute0_lowered;
	s3 =	sadd.s32 s3, s5;
	[dreg:$0x0] =	wrdreg $0x0  }
0xa8: {  	s5 =	sshll.u32 s28, $0x1;
	[dreg:$0x2] =	wrdreg s3  }
0xa9: {  	[dreg:$0x3] =	wrdreg s5  }
0xaa: {  	[dreg:$0x4] =	wrdreg $0xC0  }
0xab: {  	_ =	task [dreg:s7], $0x5FFFF  }
0xac: {  	[dreg:$0x1] =	wrdreg $0xFFFFFFFF  }
0xad: {  	[dreg:$0x0] =	wrdreg $0x60  }
0xae: {  	[dreg:$0x2] =	wrdreg s24  }
0xaf: {  	[dreg:$0x3] =	wrdreg s2  }
0xb0: {  	[dreg:$0x4] =	wrdreg $0x9  }
0xb1: {  	_ =	task.clear_ibuf [dreg:s7], $0x5FFFF;
	_ =	strace $0x90000046  }
0xb2: {  	s29 =	simm.s32 $0x9;
	_ =	strace $0x80000048  }
0xb3: {  	_ =	swait.ge [sflag:s29], $0x1  }
0xb4: {  	[sflag:s29] =	ssyncadd.s32 $0xFFFFFFFF  }
0xb5: {  	_ =	strace $0x90000048  }
0xb6: {  	_ =	sfence  }
0xb7: {  	s30 =	sld [smem:$0x0];
	_ =	sdelay $0x2  }
0xb8: {  	s31 =	sshll.u32 s1, $0xD;
	s1 =	sshrl.u32 s1, $0x2  }
0xb9: {  	s3 =	sand.u32 $0x4000, s31;
	s1 =	sadd.s32 s1, s30  }
0xba: {  	s0 =	sor.u32 s3, s0;
	s1 =	sshll.u32 s1, $0x11  }
0xbb: {  	s0 =	sor.u32 s1, s0  }
0xbc: {  	s0 =	sadd.s32 $0x8F2B, s0  }
0xbd: {  	[sflag:s0] =	ssyncadd.remote.s32 $0x1  }
0xbe: {  	_ =	sfence.sel $0xFFFF  }
0xbf: {  	[dreg:$0x0] =	wrdreg $0xFFFFFFFF;
	(pc) =	sbr.abs _section_cstart, $3  }
0xc0: {  	[dreg:$0x1] =	wrdreg $0xFFFFFFFF  }
0xc1: {  	_ =	task.clear_ibuf [dreg:s7], $0x2FFFF;
	_ =	strace $0x9FFFFFFF  }
0xc2: {  	(tm) =	ssettm $0x7FFFFFFF  }
0xc3: {  	_ =	shalt  }
tec
execute0_lowered:
.L_overlay_start_1:
0x0: {  	(tag) =	ssettag $0x1  }
0x1: {  	s1 =	srdreg.scid;
	s9 =	rddreg [dreg:$0x0]  }
0x2: {  	s0 =	stileid.u32;
	s3 =	rddreg [dreg:$0x1]  }
0x3: {  	s2 =	simm.s32 $0x0;
	s7 =	simm.s32 $0x80;
	s6 =	sand.u32 $0x1, s1  }
0x4: {  	s4 =	sshll.u32 s0, $0x7;
	s1 =	rddreg [dreg:$0x2];
	s5 =	sshll.u32 s6, $0x6  }
0x5: {  	s8 =	simm.s32 $0x1;
	[smem:$0x7FF] =	sst s2;
	s10 =	sor.u32 s5, s4  }
0x6: {  	_ =	strace $0x80000047;
	s11 =	ssub.s32 $0x2, s6;
	s4 =	sshrl.u32 s10, $0x3  }
0x7: {  	s6 =	simm.s32 $0x40;
	s4 =	sadd.s32 s3, s4;
	s3 =	simm.s32 $0x2  }
0x8: {  	[tilespmem:s2], [sflag:$0x2] =	stream.linear.gather [hbm4b:s4+s2], $0x40, $0x38;
	[tilespmem:$0x2080] =	vst v63  }
0x9: {  	s5 =	sadd.s32 $0x1000, s9;
	s12 =	sshrl.u32 s11, $0x1;
	_ =	swait.ge [sflag:s3], $0x40  }
0xa: {  	s10 =	sshll.u32 s10, $0x4;
	s31 =	ssub.s32 s11, s12;
	[sflag:s3] =	ssyncset.done $0x0  }
0xb: {  	s9 =	sadd.s32 s10, s9;
	s10 =	smax.u32 s31, $0x1;
	[sflag:s3] =	ssyncadd.s32 $0xFFFFFFC0  }
0xc: {  	[tilespmem:s7], [sflag:$0x1] =	stream.indirect.gather [hbm4b:s5+s6], $0x80, s2, s6, $0xb8;
	[tilespmem:$0x2080] =	vst v63  }
0xd: {  	p0 =	sne.s32 s10, $0x1;
	_ =	swait.ge [sflag:s8], $0x2000  }
.Ltmp0:
0xe: {  	[sflag:s8] =	ssyncset.done $0x0;
	(pc) =	sbr.rel @!p0 .LBB2_2-.Ltmp0, $4  }
0xf: {  	s9 =	sadd.s32 $0x1800, s9;
	[sflag:s8] =	ssyncadd.s32 $0xFFFFE000  }
0x10: {  	[hbm4b:s9+s2] =	stream.linear.scatter [tilespmem:s7], [sflag:$0x2], $0x2000, $0x38;
	[tilespmem:$0x2080] =	vst v63  }
0x11: {  	_ =	swait.ge [sflag:s3], $0x2000  }
0x12: {  	s10 =	sadd.s32 $0xFFFFFFFF, s10;
	[sflag:s3] =	ssyncset.done $0x0  }
.LBB2_1:
0x13: {  	p0 =	sne.s32 s10, $0x1;
	s10 =	sadd.s32 $0xFFFFFFFF, s10;
	[sflag:s3] =	ssyncadd.s32 $0xFFFFE000  }
0x14: {  	[tilespmem:s2], [sflag:$0x2] =	stream.linear.gather [hbm4b:s4+s2], $0x40, $0x38;
	[tilespmem:$0x2080] =	vst v63  }
0x15: {  	_ =	swait.ge [sflag:s3], $0x40  }
0x16: {  	[sflag:s3] =	ssyncset.done $0x0  }
0x17: {  	[sflag:s3] =	ssyncadd.s32 $0xFFFFFFC0  }
0x18: {  	[tilespmem:s7], [sflag:$0x1] =	stream.indirect.gather [hbm4b:s5+s6], $0x80, s2, s6, $0xb8;
	[tilespmem:$0x2080] =	vst v63  }
0x19: {  	_ =	swait.ge [sflag:s8], $0x2000  }
.Ltmp1:
0x1a: {  	[sflag:s8] =	ssyncset.done $0x0;
	(pc) =	sbr.rel @p0 .LBB2_1-.Ltmp1, $4  }
0x1b: {  	[sflag:s8] =	ssyncadd.s32 $0xFFFFE000  }
0x1c: {  	[hbm4b:s9+s2] =	stream.linear.scatter [tilespmem:s7], [sflag:$0x2], $0x2000, $0x38;
	[tilespmem:$0x2080] =	vst v63  }
0x1d: {  	_ =	swait.ge [sflag:s3], $0x2000  }
0x1e: {  	[sflag:s3] =	ssyncset.done $0x0  }
.LBB2_2:
0x1f: {  	[sflag:s3] =	ssyncadd.s32 $0xFFFFE000  }
0x20: {  	_ =	sfence.sel $0x180000  }
0x21: {  	[bflag:$0x0] =	sbarrier.arrive $0xFFFF  }
0x22: {  	p0 =	sne.s32 s0, $0x0;
	_ =	strace $0x90000047  }
0x23: {  	s0 =	sadd.s32 @!p0 $0x100000, s1;
	[bflag:$0x2] =	sbarrier.arrive $0xFFFF  }
0x24: {  	[sflag:s0] =	ssyncadd.tile.s32 @!p0 $0x1;
	_ =	shalt  }
.Lfunc_end2:
_tile_overlayer_lowered:
.L_overlay_start_2:
0x25: {  	(tag) =	ssettag $0x2  }
0x26: {  	s0 =	rddreg [dreg:$0x0];
	s2 =	stileid.u32  }
0x27: {  	s1 =	rddreg [dreg:$0x1];
	p0 =	sne.s32 s2, $0x0  }
0x28: {  	s3 =	rddreg [dreg:$0x2];
	[bflag:$0x3] =	sbarrier.arrive $0xFFFF;
	s2 =	simm.s32 @!p0 $0x1C02  }
0x29: {  	[timem:s3], [sflag:s2] =	dma.local @!p0 [hbm:s0], s1  }
0x2a: {  	s0 =	simm.s32 @!p0 $0x2  }
0x2b: {  	_ =	swait.ge @!p0 [sflag:s0], s1  }
0x2c: {  	s1 =	ssub.s32 @!p0 $0x0, s1;
	[sflag:s0] =	ssyncset.done @!p0 $0x0  }
0x2d: {  	[sflag:s0] =	ssyncadd.s32 @!p0 s1  }
0x2e: {  	[bflag:$0x3] =	sbarrier.arrive $0xFFFF  }
0x2f: {  	_ =	shalt  }

</sc_bundles>
